<compile_context>
chip_gen: v7x
topology: tpu7x:2x2x1
jax: 0.10.2.dev20260603
libtpu: 0.0.44.dev20260713+nightly
codegen_flags: <defaults>
</compile_context>

<pallas_src>
import functools
import numpy as np
import jax
import jax.numpy as jnp
from jax import lax
from jax.experimental import pallas as pl
from jax.experimental.pallas import tpu as pltpu

_B = 128
_N = 32768
_L = 128
_NR = _N // _L
_CH = 32
_STEPS = _NR // _CH

_KE0 = (0xBDFB82F1, 0x07B3B635)
_KE1 = (0x8C1266AC, 0x45A3D6BE)


def _np_rotl(x, r):
    return ((x << np.uint32(r)) | (x >> np.uint32(32 - r))).astype(np.uint32)


def _np_threefry_bits(k, lo):
    ks0, ks1 = np.uint32(k[0]), np.uint32(k[1])
    ks2 = np.uint32(ks0 ^ ks1 ^ np.uint32(0x1BD11BDA))
    rots = [13, 15, 26, 6, 17, 29, 16, 24]
    x0 = np.full_like(lo, ks0)
    x1 = (lo + ks1).astype(np.uint32)

    def four(x0, x1, rs):
        for r in rs:
            x0 = (x0 + x1).astype(np.uint32)
            x1 = _np_rotl(x1, r) ^ x0
        return x0, x1

    x0, x1 = four(x0, x1, rots[:4])
    x0 = (x0 + ks1).astype(np.uint32); x1 = (x1 + ks2 + np.uint32(1)).astype(np.uint32)
    x0, x1 = four(x0, x1, rots[4:])
    x0 = (x0 + ks2).astype(np.uint32); x1 = (x1 + ks0 + np.uint32(2)).astype(np.uint32)
    x0, x1 = four(x0, x1, rots[:4])
    x0 = (x0 + ks0).astype(np.uint32); x1 = (x1 + ks1 + np.uint32(3)).astype(np.uint32)
    x0, x1 = four(x0, x1, rots[4:])
    x0 = (x0 + ks1).astype(np.uint32); x1 = (x1 + ks2 + np.uint32(4)).astype(np.uint32)
    x0, x1 = four(x0, x1, rots[:4])
    x0 = (x0 + ks2).astype(np.uint32); x1 = (x1 + ks0 + np.uint32(5)).astype(np.uint32)
    return x0 ^ x1


@functools.lru_cache(maxsize=1)
def _gumbel_tables():
    n = _B * _N
    cnt = np.arange(n, dtype=np.uint32)
    tiny = np.float32(np.finfo(np.float32).tiny)

    def gum(kd):
        bits = _np_threefry_bits(kd, cnt)
        fl = ((bits >> np.uint32(9)) | np.uint32(0x3F800000)).view(np.float32)
        u = np.maximum(tiny, fl - np.float32(1.0))
        g = -np.log(-np.log(u))
        return g.reshape(_B, _NR, _L)

    return np.concatenate([gum(_KE0), gum(_KE1)], axis=2)


def _block_argmax(v, nmat):
    m = jnp.max(v, axis=1, keepdims=True)
    big = jnp.int32(np.iinfo(np.int32).max)
    idx = jnp.min(jnp.where(v == m, nmat, big), axis=1, keepdims=True)
    return m, idx


def _body(x_ref, g_ref, w_ref, b_ref, out_ref,
          v0_s, i0_s, v1_s, i1_s, v2_s, i2_s):
    step = pl.program_id(0)
    w0 = w_ref[0, 0]
    w1 = w_ref[0, 1]
    w2 = w_ref[0, 2]
    bias = b_ref[0, 0]

    r = lax.broadcasted_iota(jnp.int32, (3 * _L, _L), 0)
    c = lax.broadcasted_iota(jnp.int32, (3 * _L, _L), 1)
    rm = r % 3
    wsel = jnp.where(rm == 0, w0, jnp.where(rm == 1, w1, w2))
    S = jnp.where(r // 3 == c, wsel, jnp.float32(0.0))

    x2 = x_ref[...].reshape(_B * _CH, 3 * _L)
    lin = jnp.dot(x2, S, preferred_element_type=jnp.float32) + bias

    rr = lax.broadcasted_iota(jnp.int32, (_B * _CH, _L), 0)
    jj = lax.broadcasted_iota(jnp.int32, (_B * _CH, _L), 1)
    ic = rr % _CH
    n = (step * _CH + ic) * _L + jj

    gc = g_ref[...]
    g0 = gc[:, :, :_L].reshape(_B * _CH, _L)
    g1 = gc[:, :, _L:].reshape(_B * _CH, _L)

    flat = (_B, _CH * _L)
    nmat = n.reshape(flat)
    m0, x0i = _block_argmax(lin.reshape(flat), nmat)
    m1, x1i = _block_argmax((lin + g0).reshape(flat), nmat)
    m2, x2i = _block_argmax((lin + g1).reshape(flat), nmat)

    @pl.when(step == 0)
    def _init():
        v0_s[...], i0_s[...] = m0, x0i
        v1_s[...], i1_s[...] = m1, x1i
        v2_s[...], i2_s[...] = m2, x2i

    @pl.when(step != 0)
    def _merge():
        for m, idx, v_s, i_s in ((m0, x0i, v0_s, i0_s),
                                 (m1, x1i, v1_s, i1_s),
                                 (m2, x2i, v2_s, i2_s)):
            old_v = v_s[...]
            take = m > old_v
            v_s[...] = jnp.where(take, m, old_v)
            i_s[...] = jnp.where(take, idx, i_s[...])

    @pl.when(step == _STEPS - 1)
    def _emit():
        best = i0_s[...]
        c0 = i1_s[...]
        c1 = i2_s[...]
        out_ref[...] = jnp.where(c0 == best, c0, c1)


def kernel(X, W, b):
    Xr = X.reshape(_B, _NR, 3 * _L)
    b2 = b.reshape(1, 1)
    gt = _gumbel_tables()
    out = pl.pallas_call(
        _body,
        grid=(_STEPS,),
        in_specs=[
            pl.BlockSpec((_B, _CH, 3 * _L), lambda s: (0, s, 0)),
            pl.BlockSpec((_B, _CH, 2 * _L), lambda s: (0, s, 0)),
            pl.BlockSpec((1, 3), lambda s: (0, 0)),
            pl.BlockSpec((1, 1), lambda s: (0, 0)),
        ],
        out_specs=pl.BlockSpec((_B, 1), lambda s: (0, 0)),
        out_shape=jax.ShapeDtypeStruct((_B, 1), jnp.int32),
        scratch_shapes=[
            pltpu.VMEM((_B, 1), jnp.float32), pltpu.VMEM((_B, 1), jnp.int32),
            pltpu.VMEM((_B, 1), jnp.float32), pltpu.VMEM((_B, 1), jnp.int32),
            pltpu.VMEM((_B, 1), jnp.float32), pltpu.VMEM((_B, 1), jnp.int32),
        ],
        compiler_params=pltpu.CompilerParams(
            dimension_semantics=("arbitrary",),
        ),
    )(Xr, jnp.asarray(gt), W, b2)
    return out.reshape(_B)

# --- scband reference (transcript-rebuilt; emitter-appended) ---
"""Pipeline reference for scband-reinforce-unified-22247930593333 (READ-ONLY COPY).

The authoritative reference and input builder live on the scoring server;
editing this copy changes nothing except your own understanding.
"""

import jax, jax.numpy as jnp
import numpy as np

EPSILON = 2
B = 128
N = 32768


def setup_inputs(seed: int = 0) -> dict:
    key = jax.random.key(seed)
    k1, k2, k3 = jax.random.split(key, 3)
    X = jax.random.normal(k1, (B, N * 3), dtype=jnp.float32)
    # policy = Linear(3, 1): weight [1, 3], bias [1]
    W = jax.random.normal(k2, (1, 3), dtype=jnp.float32) * (1.0 / np.sqrt(3.0))
    b = jax.random.normal(k3, (1,), dtype=jnp.float32) * (1.0 / np.sqrt(3.0))
    return {"X": X, "W": W, "b": b}


def reference(X, W, b):
    Bsz = X.shape[0]
    n_cat = X.shape[1] // 3
    obs = X.reshape(Bsz, n_cat, 3).astype(jnp.float32)
    # policy(obs): [B, N, 1]; softmax over dim=1 (category axis)
    lin = obs @ W.T + b
    scores = jax.nn.softmax(lin, axis=1)
    probs = scores.reshape(Bsz, -1)  # [B, N]
    logp = jnp.log(probs)
    key = jax.random.key(42)
    k0, kloop = jax.random.split(key)
    # initial batched categorical sample (overwritten by the epsilon loop below,
    # matching the torch code where every row is re-sampled per-item)
    actions = jax.random.categorical(k0, logp, axis=-1)
    best = jnp.argmax(probs, axis=1)
    # epsilon-greedy retry loop: take the first per-row candidate that equals the
    # argmax action; otherwise keep the last sampled candidate
    done = jnp.zeros((Bsz,), dtype=bool)
    for e in range(EPSILON):
        ke = jax.random.fold_in(kloop, e)
        cand = jax.random.categorical(ke, logp, axis=-1)
        if e == 0:
            actions = cand
        else:
            actions = jnp.where(done, actions, cand)
        done = done | (cand == best)
    return actions

if __name__ == "__main__":
    import jax
    _d = setup_inputs()
    print(jax.jit(kernel)(*tuple(_d.values())))

</pallas_src>

<mosaic_0001>
module attributes {stable_mosaic.version = 14 : i64} {
  func.func @_body(%arg0: i32, %arg1: memref<128x32x384xf32, #tpu.memory_space<vmem>>, %arg2: memref<128x32x256xf32, #tpu.memory_space<vmem>>, %arg3: memref<1x3xf32, #tpu.memory_space<vmem>>, %arg4: memref<1x1xf32, #tpu.memory_space<vmem>>, %arg5: memref<128x1xi32, #tpu.memory_space<vmem>>, %arg6: memref<128x1xf32, #tpu.memory_space<vmem>>, %arg7: memref<128x1xi32, #tpu.memory_space<vmem>>, %arg8: memref<128x1xf32, #tpu.memory_space<vmem>>, %arg9: memref<128x1xi32, #tpu.memory_space<vmem>>, %arg10: memref<128x1xf32, #tpu.memory_space<vmem>>, %arg11: memref<128x1xi32, #tpu.memory_space<vmem>>) attributes {dimension_semantics = [#tpu.dimension_semantics<arbitrary>], iteration_bounds = array<i64: 8>, scalar_prefetch = 0 : i64, scratch_operands = 6 : i64, tpu.core_type = #tpu.core_type<tc>, window_params = [{transform_indices = @transform_0, window_bounds = array<i64: 128, 32, 384>}, {transform_indices = @transform_1, window_bounds = array<i64: 128, 32, 256>}, {pipeline_mode = #tpu.pipeline_mode<synchronous>, transform_indices = @transform_2, window_bounds = array<i64: 1, 3>}, {pipeline_mode = #tpu.pipeline_mode<synchronous>, transform_indices = @transform_3, window_bounds = array<i64: 1, 1>}, {pipeline_mode = #tpu.pipeline_mode<synchronous>, transform_indices = @transform_4, window_bounds = array<i64: 128, 1>}]} {
    %get3A = arith.constant 0 : index
    %get3A_0 = arith.constant 0 : index
    %get3A_1 = vector.load %arg3[%get3A, %get3A_0] : memref<1x3xf32, #tpu.memory_space<vmem>>, vector<1x1xf32>
    %get3A_2 = vector.extract %get3A_1[0, 0] : f32 from vector<1x1xf32>
    %get3A_3 = arith.constant 0 : index
    %get3A_4 = arith.constant 1 : index
    %get3A_5 = vector.load %arg3[%get3A_3, %get3A_4] : memref<1x3xf32, #tpu.memory_space<vmem>>, vector<1x1xf32>
    %get3A_6 = vector.extract %get3A_5[0, 0] : f32 from vector<1x1xf32>
    %get3A_7 = arith.constant 0 : index
    %get3A_8 = arith.constant 2 : index
    %get3A_9 = vector.load %arg3[%get3A_7, %get3A_8] : memref<1x3xf32, #tpu.memory_space<vmem>>, vector<1x1xf32>
    %get3A_10 = vector.extract %get3A_9[0, 0] : f32 from vector<1x1xf32>
    %get3A_11 = arith.constant 0 : index
    %get3A_12 = arith.constant 0 : index
    %get3A_13 = vector.load %arg4[%get3A_11, %get3A_12] : memref<1x1xf32, #tpu.memory_space<vmem>>, vector<1x1xf32>
    %get3A_14 = vector.extract %get3A_13[0, 0] : f32 from vector<1x1xf32>
    %iota3A = tpu.iota {dimensions = array<i32: 0>} : vector<384x128xi32>
    %iota3A_15 = tpu.iota {dimensions = array<i32: 1>} : vector<384x128xi32>
    %jit3A = arith.constant 3 : i32
    %eq3A = arith.constant 0 : i32
    %eq3A_16 = arith.cmpi eq, %jit3A, %eq3A : i32
    %jit3A_17 = arith.constant 1 : i32
    %select_n3A = arith.select %eq3A_16, %jit3A_17, %jit3A : i32
    %rem3A = vector.broadcast %select_n3A : i32 to vector<384x128xi32>
    %rem3A_18 = arith.remsi %iota3A, %rem3A : vector<384x128xi32>
    %ne3A = arith.constant 0 : i32
    %ne3A_19 = vector.broadcast %ne3A : i32 to vector<384x128xi32>
    %ne3A_20 = arith.cmpi ne, %rem3A_18, %ne3A_19 : vector<384x128xi32>
    %lt3A = arith.constant 0 : i32
    %lt3A_21 = vector.broadcast %lt3A : i32 to vector<384x128xi32>
    %lt3A_22 = arith.cmpi slt, %rem3A_18, %lt3A_21 : vector<384x128xi32>
    %lt3A_23 = arith.constant 0 : i32
    %lt3A_24 = arith.cmpi slt, %select_n3A, %lt3A_23 : i32
    %ne3A_25 = vector.broadcast %lt3A_24 : i1 to vector<384x128xi1>
    %ne3A_26 = vector.broadcast %ne3A_25 : vector<384x128xi1> to vector<384x128xi1>
    %ne3A_27 = arith.xori %lt3A_22, %ne3A_26 : vector<384x128xi1>
    %and3A = arith.andi %ne3A_27, %ne3A_20 : vector<384x128xi1>
    %add3A = vector.broadcast %select_n3A : i32 to vector<384x128xi32>
    %add3A_28 = arith.addi %rem3A_18, %add3A : vector<384x128xi32>
    %select_n3A_29 = arith.select %and3A, %add3A_28, %rem3A_18 : vector<384x128xi1>, vector<384x128xi32>
    %eq3A_30 = arith.constant 0 : i32
    %eq3A_31 = vector.broadcast %eq3A_30 : i32 to vector<384x128xi32>
    %eq3A_32 = arith.cmpi eq, %select_n3A_29, %eq3A_31 : vector<384x128xi32>
    %eq3A_33 = arith.constant 1 : i32
    %eq3A_34 = vector.broadcast %eq3A_33 : i32 to vector<384x128xi32>
    %eq3A_35 = arith.cmpi eq, %select_n3A_29, %eq3A_34 : vector<384x128xi32>
    %broadcast_in_dim3A = vector.broadcast %get3A_6 : f32 to vector<384x128xf32>
    %broadcast_in_dim3A_36 = vector.broadcast %get3A_10 : f32 to vector<384x128xf32>
    %select_n3A_37 = arith.select %eq3A_35, %broadcast_in_dim3A, %broadcast_in_dim3A_36 : vector<384x128xi1>, vector<384x128xf32>
    %broadcast_in_dim3A_38 = vector.broadcast %get3A_2 : f32 to vector<384x128xf32>
    %select_n3A_39 = arith.select %eq3A_32, %broadcast_in_dim3A_38, %select_n3A_37 : vector<384x128xi1>, vector<384x128xf32>
    %jit3A_40 = arith.constant 3 : i32
    %div3A = vector.broadcast %jit3A_40 : i32 to vector<384x128xi32>
    %div3A_41 = arith.divsi %iota3A, %div3A : vector<384x128xi32>
    %sign3A = arith.constant 0 : i32
    %sign3A_42 = vector.broadcast %sign3A : i32 to vector<384x128xi32>
    %sign3A_43 = arith.cmpi sgt, %iota3A, %sign3A_42 : vector<384x128xi32>
    %sign3A_44 = arith.extui %sign3A_43 : vector<384x128xi1> to vector<384x128xi32>
    %sign3A_45 = arith.constant 0 : i32
    %sign3A_46 = vector.broadcast %sign3A_45 : i32 to vector<384x128xi32>
    %sign3A_47 = arith.cmpi slt, %iota3A, %sign3A_46 : vector<384x128xi32>
    %sign3A_48 = arith.extui %sign3A_47 : vector<384x128xi1> to vector<384x128xi32>
    %sign3A_49 = arith.subi %sign3A_44, %sign3A_48 : vector<384x128xi32>
    %sign3A_50 = arith.constant 0 : i32
    %sign3A_51 = arith.cmpi sgt, %jit3A_40, %sign3A_50 : i32
    %sign3A_52 = arith.extui %sign3A_51 : i1 to i32
    %sign3A_53 = arith.constant 0 : i32
    %sign3A_54 = arith.cmpi slt, %jit3A_40, %sign3A_53 : i32
    %sign3A_55 = arith.extui %sign3A_54 : i1 to i32
    %sign3A_56 = arith.subi %sign3A_52, %sign3A_55 : i32
    %ne3A_57 = vector.broadcast %sign3A_56 : i32 to vector<384x128xi32>
    %ne3A_58 = arith.cmpi ne, %sign3A_49, %ne3A_57 : vector<384x128xi32>
    %rem3A_59 = vector.broadcast %jit3A_40 : i32 to vector<384x128xi32>
    %rem3A_60 = arith.remsi %iota3A, %rem3A_59 : vector<384x128xi32>
    %ne3A_61 = arith.constant 0 : i32
    %ne3A_62 = vector.broadcast %ne3A_61 : i32 to vector<384x128xi32>
    %ne3A_63 = arith.cmpi ne, %rem3A_60, %ne3A_62 : vector<384x128xi32>
    %and3A_64 = arith.andi %ne3A_58, %ne3A_63 : vector<384x128xi1>
    %sub3A = arith.constant 1 : i32
    %sub3A_65 = vector.broadcast %sub3A : i32 to vector<384x128xi32>
    %sub3A_66 = arith.subi %div3A_41, %sub3A_65 : vector<384x128xi32>
    %select_n3A_67 = arith.select %and3A_64, %sub3A_66, %div3A_41 : vector<384x128xi1>, vector<384x128xi32>
    %eq3A_68 = arith.cmpi eq, %select_n3A_67, %iota3A_15 : vector<384x128xi32>
    %jit3A_69 = arith.constant 0.000000e+00 : f32
    %broadcast_in_dim3A_70 = vector.broadcast %jit3A_69 : f32 to vector<384x128xf32>
    %select_n3A_71 = arith.select %eq3A_68, %select_n3A_39, %broadcast_in_dim3A_70 : vector<384x128xi1>, vector<384x128xf32>
    %get3A_72 = arith.constant 0 : index
    %get3A_73 = arith.constant 0 : index
    %get3A_74 = arith.constant 0 : index
    %get3A_75 = vector.load %arg1[%get3A_72, %get3A_73, %get3A_74] : memref<128x32x384xf32, #tpu.memory_space<vmem>>, vector<128x32x384xf32>
    %reshape3A = vector.shape_cast %get3A_75 : vector<128x32x384xf32> to vector<4096x384xf32>
    %dot_general3A = arith.constant dense<0.000000e+00> : vector<4096x128xf32>
    %dot_general3A_76 = tpu.matmul %reshape3A, %select_n3A_71, %dot_general3A {dimension_numbers = #tpu.dot_dimension_numbers<[1], [0], [0], [1], [0, 0, 1, 1], [], []>, transpose_lhs_hint = false} : vector<4096x384xf32>, vector<384x128xf32>, vector<4096x128xf32> -> vector<4096x128xf32>
    %add3A_77 = vector.broadcast %get3A_14 : f32 to vector<4096x128xf32>
    %add3A_78 = arith.addf %dot_general3A_76, %add3A_77 : vector<4096x128xf32>
    %iota3A_79 = tpu.iota {dimensions = array<i32: 0>} : vector<4096x128xi32>
    %iota3A_80 = tpu.iota {dimensions = array<i32: 1>} : vector<4096x128xi32>
    %jit3A_81 = arith.constant 32 : i32
    %eq3A_82 = arith.constant 0 : i32
    %eq3A_83 = arith.cmpi eq, %jit3A_81, %eq3A_82 : i32
    %jit3A_84 = arith.constant 1 : i32
    %select_n3A_85 = arith.select %eq3A_83, %jit3A_84, %jit3A_81 : i32
    %rem3A_86 = vector.broadcast %select_n3A_85 : i32 to vector<4096x128xi32>
    %rem3A_87 = arith.remsi %iota3A_79, %rem3A_86 : vector<4096x128xi32>
    %ne3A_88 = arith.constant 0 : i32
    %ne3A_89 = vector.broadcast %ne3A_88 : i32 to vector<4096x128xi32>
    %ne3A_90 = arith.cmpi ne, %rem3A_87, %ne3A_89 : vector<4096x128xi32>
    %lt3A_91 = arith.constant 0 : i32
    %lt3A_92 = vector.broadcast %lt3A_91 : i32 to vector<4096x128xi32>
    %lt3A_93 = arith.cmpi slt, %rem3A_87, %lt3A_92 : vector<4096x128xi32>
    %lt3A_94 = arith.constant 0 : i32
    %lt3A_95 = arith.cmpi slt, %select_n3A_85, %lt3A_94 : i32
    %ne3A_96 = vector.broadcast %lt3A_95 : i1 to vector<4096x128xi1>
    %ne3A_97 = vector.broadcast %ne3A_96 : vector<4096x128xi1> to vector<4096x128xi1>
    %ne3A_98 = arith.xori %lt3A_93, %ne3A_97 : vector<4096x128xi1>
    %and3A_99 = arith.andi %ne3A_98, %ne3A_90 : vector<4096x128xi1>
    %add3A_100 = vector.broadcast %select_n3A_85 : i32 to vector<4096x128xi32>
    %add3A_101 = arith.addi %rem3A_87, %add3A_100 : vector<4096x128xi32>
    %select_n3A_102 = arith.select %and3A_99, %add3A_101, %rem3A_87 : vector<4096x128xi1>, vector<4096x128xi32>
    %mul3A = arith.constant 32 : i32
    %mul3A_103 = arith.muli %arg0, %mul3A : i32
    %add3A_104 = vector.broadcast %mul3A_103 : i32 to vector<4096x128xi32>
    %add3A_105 = arith.addi %add3A_104, %select_n3A_102 : vector<4096x128xi32>
    %mul3A_106 = arith.constant 128 : i32
    %mul3A_107 = vector.broadcast %mul3A_106 : i32 to vector<4096x128xi32>
    %mul3A_108 = arith.muli %add3A_105, %mul3A_107 : vector<4096x128xi32>
    %add3A_109 = arith.addi %mul3A_108, %iota3A_80 : vector<4096x128xi32>
    %get3A_110 = arith.constant 0 : index
    %get3A_111 = arith.constant 0 : index
    %get3A_112 = arith.constant 0 : index
    %get3A_113 = vector.load %arg2[%get3A_110, %get3A_111, %get3A_112] : memref<128x32x256xf32, #tpu.memory_space<vmem>>, vector<128x32x256xf32>
    %slice3A = vector.extract_strided_slice %get3A_113 {offsets = [0, 0, 0], sizes = [128, 32, 128], strides = [1, 1, 1]} : vector<128x32x256xf32> to vector<128x32x128xf32>
    %reshape3A_114 = vector.shape_cast %slice3A : vector<128x32x128xf32> to vector<4096x128xf32>
    %slice3A_115 = vector.extract_strided_slice %get3A_113 {offsets = [0, 0, 128], sizes = [128, 32, 128], strides = [1, 1, 1]} : vector<128x32x256xf32> to vector<128x32x128xf32>
    %reshape3A_116 = vector.shape_cast %slice3A_115 : vector<128x32x128xf32> to vector<4096x128xf32>
    %reshape3A_117 = vector.shape_cast %add3A_109 : vector<4096x128xi32> to vector<128x4096xi32>
    %reshape3A_118 = vector.shape_cast %add3A_78 : vector<4096x128xf32> to vector<128x4096xf32>
    %reduce_max3A = arith.constant dense<0xFF800000> : vector<128xf32>
    %reduce_max3A_119 = vector.multi_reduction <maximumf>, %reshape3A_118, %reduce_max3A [1] : vector<128x4096xf32> to vector<128xf32>
    %broadcast_in_dim3A_120 = vector.shape_cast %reduce_max3A_119 : vector<128xf32> to vector<128x1xf32>
    %eq3A_121 = vector.broadcast %broadcast_in_dim3A_120 : vector<128x1xf32> to vector<128x4096xf32>
    %eq3A_122 = arith.cmpf oeq, %reshape3A_118, %eq3A_121 : vector<128x4096xf32>
    %jit3A_123 = arith.constant 2147483647 : i32
    %broadcast_in_dim3A_124 = vector.broadcast %jit3A_123 : i32 to vector<128x4096xi32>
    %select_n3A_125 = arith.select %eq3A_122, %reshape3A_117, %broadcast_in_dim3A_124 : vector<128x4096xi1>, vector<128x4096xi32>
    %reduce_min3A = arith.constant dense<2147483647> : vector<128xi32>
    %reduce_min3A_126 = vector.multi_reduction <minsi>, %select_n3A_125, %reduce_min3A [1] : vector<128x4096xi32> to vector<128xi32>
    %broadcast_in_dim3A_127 = vector.shape_cast %reduce_min3A_126 : vector<128xi32> to vector<128x1xi32>
    %add3A_128 = arith.addf %add3A_78, %reshape3A_114 : vector<4096x128xf32>
    %reshape3A_129 = vector.shape_cast %add3A_128 : vector<4096x128xf32> to vector<128x4096xf32>
    %reduce_max3A_130 = arith.constant dense<0xFF800000> : vector<128xf32>
    %reduce_max3A_131 = vector.multi_reduction <maximumf>, %reshape3A_129, %reduce_max3A_130 [1] : vector<128x4096xf32> to vector<128xf32>
    %broadcast_in_dim3A_132 = vector.shape_cast %reduce_max3A_131 : vector<128xf32> to vector<128x1xf32>
    %eq3A_133 = vector.broadcast %broadcast_in_dim3A_132 : vector<128x1xf32> to vector<128x4096xf32>
    %eq3A_134 = arith.cmpf oeq, %reshape3A_129, %eq3A_133 : vector<128x4096xf32>
    %jit3A_135 = arith.constant 2147483647 : i32
    %broadcast_in_dim3A_136 = vector.broadcast %jit3A_135 : i32 to vector<128x4096xi32>
    %select_n3A_137 = arith.select %eq3A_134, %reshape3A_117, %broadcast_in_dim3A_136 : vector<128x4096xi1>, vector<128x4096xi32>
    %reduce_min3A_138 = arith.constant dense<2147483647> : vector<128xi32>
    %reduce_min3A_139 = vector.multi_reduction <minsi>, %select_n3A_137, %reduce_min3A_138 [1] : vector<128x4096xi32> to vector<128xi32>
    %broadcast_in_dim3A_140 = vector.shape_cast %reduce_min3A_139 : vector<128xi32> to vector<128x1xi32>
    %add3A_141 = arith.addf %add3A_78, %reshape3A_116 : vector<4096x128xf32>
    %reshape3A_142 = vector.shape_cast %add3A_141 : vector<4096x128xf32> to vector<128x4096xf32>
    %reduce_max3A_143 = arith.constant dense<0xFF800000> : vector<128xf32>
    %reduce_max3A_144 = vector.multi_reduction <maximumf>, %reshape3A_142, %reduce_max3A_143 [1] : vector<128x4096xf32> to vector<128xf32>
    %broadcast_in_dim3A_145 = vector.shape_cast %reduce_max3A_144 : vector<128xf32> to vector<128x1xf32>
    %eq3A_146 = vector.broadcast %broadcast_in_dim3A_145 : vector<128x1xf32> to vector<128x4096xf32>
    %eq3A_147 = arith.cmpf oeq, %reshape3A_142, %eq3A_146 : vector<128x4096xf32>
    %jit3A_148 = arith.constant 2147483647 : i32
    %broadcast_in_dim3A_149 = vector.broadcast %jit3A_148 : i32 to vector<128x4096xi32>
    %select_n3A_150 = arith.select %eq3A_147, %reshape3A_117, %broadcast_in_dim3A_149 : vector<128x4096xi1>, vector<128x4096xi32>
    %reduce_min3A_151 = arith.constant dense<2147483647> : vector<128xi32>
    %reduce_min3A_152 = vector.multi_reduction <minsi>, %select_n3A_150, %reduce_min3A_151 [1] : vector<128x4096xi32> to vector<128xi32>
    %broadcast_in_dim3A_153 = vector.shape_cast %reduce_min3A_152 : vector<128xi32> to vector<128x1xi32>
    %eq3A_154 = arith.constant 0 : i32
    %eq3A_155 = arith.cmpi eq, %arg0, %eq3A_154 : i32
    %convert_element_type3A = arith.extui %eq3A_155 : i1 to i32
    %cond3A = arith.constant 0 : i32
    %cond3A_156 = arith.cmpi ne, %convert_element_type3A, %cond3A : i32
    scf.if %cond3A_156 {
      %swap3A = arith.constant 0 : index
      %swap3A_167 = arith.constant 0 : index
      %swap3A_168 = vector.load %arg6[%swap3A, %swap3A_167] : memref<128x1xf32, #tpu.memory_space<vmem>>, vector<128x1xf32>
      tpu.vector_store %arg6[%swap3A, %swap3A_167], %broadcast_in_dim3A_120 {strides = array<i32>} : memref<128x1xf32, #tpu.memory_space<vmem>>, vector<128x1xf32>,
      %swap3A_169 = arith.constant 0 : index
      %swap3A_170 = arith.constant 0 : index
      %swap3A_171 = vector.load %arg7[%swap3A_169, %swap3A_170] : memref<128x1xi32, #tpu.memory_space<vmem>>, vector<128x1xi32>
      tpu.vector_store %arg7[%swap3A_169, %swap3A_170], %broadcast_in_dim3A_127 {strides = array<i32>} : memref<128x1xi32, #tpu.memory_space<vmem>>, vector<128x1xi32>,
      %swap3A_172 = arith.constant 0 : index
      %swap3A_173 = arith.constant 0 : index
      %swap3A_174 = vector.load %arg8[%swap3A_172, %swap3A_173] : memref<128x1xf32, #tpu.memory_space<vmem>>, vector<128x1xf32>
      tpu.vector_store %arg8[%swap3A_172, %swap3A_173], %broadcast_in_dim3A_132 {strides = array<i32>} : memref<128x1xf32, #tpu.memory_space<vmem>>, vector<128x1xf32>,
      %swap3A_175 = arith.constant 0 : index
      %swap3A_176 = arith.constant 0 : index
      %swap3A_177 = vector.load %arg9[%swap3A_175, %swap3A_176] : memref<128x1xi32, #tpu.memory_space<vmem>>, vector<128x1xi32>
      tpu.vector_store %arg9[%swap3A_175, %swap3A_176], %broadcast_in_dim3A_140 {strides = array<i32>} : memref<128x1xi32, #tpu.memory_space<vmem>>, vector<128x1xi32>,
      %swap3A_178 = arith.constant 0 : index
      %swap3A_179 = arith.constant 0 : index
      %swap3A_180 = vector.load %arg10[%swap3A_178, %swap3A_179] : memref<128x1xf32, #tpu.memory_space<vmem>>, vector<128x1xf32>
      tpu.vector_store %arg10[%swap3A_178, %swap3A_179], %broadcast_in_dim3A_145 {strides = array<i32>} : memref<128x1xf32, #tpu.memory_space<vmem>>, vector<128x1xf32>,
      %swap3A_181 = arith.constant 0 : index
      %swap3A_182 = arith.constant 0 : index
      %swap3A_183 = vector.load %arg11[%swap3A_181, %swap3A_182] : memref<128x1xi32, #tpu.memory_space<vmem>>, vector<128x1xi32>
      tpu.vector_store %arg11[%swap3A_181, %swap3A_182], %broadcast_in_dim3A_153 {strides = array<i32>} : memref<128x1xi32, #tpu.memory_space<vmem>>, vector<128x1xi32>,
    } else {
    }
    %ne3A_157 = arith.constant 0 : i32
    %ne3A_158 = arith.cmpi ne, %arg0, %ne3A_157 : i32
    %convert_element_type3A_159 = arith.extui %ne3A_158 : i1 to i32
    %cond3A_160 = arith.constant 0 : i32
    %cond3A_161 = arith.cmpi ne, %convert_element_type3A_159, %cond3A_160 : i32
    scf.if %cond3A_161 {
      %get3A_167 = arith.constant 0 : index
      %get3A_168 = arith.constant 0 : index
      %get3A_169 = vector.load %arg6[%get3A_167, %get3A_168] : memref<128x1xf32, #tpu.memory_space<vmem>>, vector<128x1xf32>
      %gt3A = arith.cmpf ogt, %broadcast_in_dim3A_120, %get3A_169 : vector<128x1xf32>
      %select_n3A_170 = arith.select %gt3A, %broadcast_in_dim3A_120, %get3A_169 : vector<128x1xi1>, vector<128x1xf32>
      %swap3A = arith.constant 0 : index
      %swap3A_171 = arith.constant 0 : index
      %swap3A_172 = vector.load %arg6[%swap3A, %swap3A_171] : memref<128x1xf32, #tpu.memory_space<vmem>>, vector<128x1xf32>
      tpu.vector_store %arg6[%swap3A, %swap3A_171], %select_n3A_170 {strides = array<i32>} : memref<128x1xf32, #tpu.memory_space<vmem>>, vector<128x1xf32>,
      %get3A_173 = arith.constant 0 : index
      %get3A_174 = arith.constant 0 : index
      %get3A_175 = vector.load %arg7[%get3A_173, %get3A_174] : memref<128x1xi32, #tpu.memory_space<vmem>>, vector<128x1xi32>
      %select_n3A_176 = arith.select %gt3A, %broadcast_in_dim3A_127, %get3A_175 : vector<128x1xi1>, vector<128x1xi32>
      %swap3A_177 = arith.constant 0 : index
      %swap3A_178 = arith.constant 0 : index
      %swap3A_179 = vector.load %arg7[%swap3A_177, %swap3A_178] : memref<128x1xi32, #tpu.memory_space<vmem>>, vector<128x1xi32>
      tpu.vector_store %arg7[%swap3A_177, %swap3A_178], %select_n3A_176 {strides = array<i32>} : memref<128x1xi32, #tpu.memory_space<vmem>>, vector<128x1xi32>,
      %get3A_180 = arith.constant 0 : index
      %get3A_181 = arith.constant 0 : index
      %get3A_182 = vector.load %arg8[%get3A_180, %get3A_181] : memref<128x1xf32, #tpu.memory_space<vmem>>, vector<128x1xf32>
      %gt3A_183 = arith.cmpf ogt, %broadcast_in_dim3A_132, %get3A_182 : vector<128x1xf32>
      %select_n3A_184 = arith.select %gt3A_183, %broadcast_in_dim3A_132, %get3A_182 : vector<128x1xi1>, vector<128x1xf32>
      %swap3A_185 = arith.constant 0 : index
      %swap3A_186 = arith.constant 0 : index
      %swap3A_187 = vector.load %arg8[%swap3A_185, %swap3A_186] : memref<128x1xf32, #tpu.memory_space<vmem>>, vector<128x1xf32>
      tpu.vector_store %arg8[%swap3A_185, %swap3A_186], %select_n3A_184 {strides = array<i32>} : memref<128x1xf32, #tpu.memory_space<vmem>>, vector<128x1xf32>,
      %get3A_188 = arith.constant 0 : index
      %get3A_189 = arith.constant 0 : index
      %get3A_190 = vector.load %arg9[%get3A_188, %get3A_189] : memref<128x1xi32, #tpu.memory_space<vmem>>, vector<128x1xi32>
      %select_n3A_191 = arith.select %gt3A_183, %broadcast_in_dim3A_140, %get3A_190 : vector<128x1xi1>, vector<128x1xi32>
      %swap3A_192 = arith.constant 0 : index
      %swap3A_193 = arith.constant 0 : index
      %swap3A_194 = vector.load %arg9[%swap3A_192, %swap3A_193] : memref<128x1xi32, #tpu.memory_space<vmem>>, vector<128x1xi32>
      tpu.vector_store %arg9[%swap3A_192, %swap3A_193], %select_n3A_191 {strides = array<i32>} : memref<128x1xi32, #tpu.memory_space<vmem>>, vector<128x1xi32>,
      %get3A_195 = arith.constant 0 : index
      %get3A_196 = arith.constant 0 : index
      %get3A_197 = vector.load %arg10[%get3A_195, %get3A_196] : memref<128x1xf32, #tpu.memory_space<vmem>>, vector<128x1xf32>
      %gt3A_198 = arith.cmpf ogt, %broadcast_in_dim3A_145, %get3A_197 : vector<128x1xf32>
      %select_n3A_199 = arith.select %gt3A_198, %broadcast_in_dim3A_145, %get3A_197 : vector<128x1xi1>, vector<128x1xf32>
      %swap3A_200 = arith.constant 0 : index
      %swap3A_201 = arith.constant 0 : index
      %swap3A_202 = vector.load %arg10[%swap3A_200, %swap3A_201] : memref<128x1xf32, #tpu.memory_space<vmem>>, vector<128x1xf32>
      tpu.vector_store %arg10[%swap3A_200, %swap3A_201], %select_n3A_199 {strides = array<i32>} : memref<128x1xf32, #tpu.memory_space<vmem>>, vector<128x1xf32>,
      %get3A_203 = arith.constant 0 : index
      %get3A_204 = arith.constant 0 : index
      %get3A_205 = vector.load %arg11[%get3A_203, %get3A_204] : memref<128x1xi32, #tpu.memory_space<vmem>>, vector<128x1xi32>
      %select_n3A_206 = arith.select %gt3A_198, %broadcast_in_dim3A_153, %get3A_205 : vector<128x1xi1>, vector<128x1xi32>
      %swap3A_207 = arith.constant 0 : index
      %swap3A_208 = arith.constant 0 : index
      %swap3A_209 = vector.load %arg11[%swap3A_207, %swap3A_208] : memref<128x1xi32, #tpu.memory_space<vmem>>, vector<128x1xi32>
      tpu.vector_store %arg11[%swap3A_207, %swap3A_208], %select_n3A_206 {strides = array<i32>} : memref<128x1xi32, #tpu.memory_space<vmem>>, vector<128x1xi32>,
    } else {
    }
    %eq3A_162 = arith.constant 7 : i32
    %eq3A_163 = arith.cmpi eq, %arg0, %eq3A_162 : i32
    %convert_element_type3A_164 = arith.extui %eq3A_163 : i1 to i32
    %cond3A_165 = arith.constant 0 : i32
    %cond3A_166 = arith.cmpi ne, %convert_element_type3A_164, %cond3A_165 : i32
    scf.if %cond3A_166 {
      %get3A_167 = arith.constant 0 : index
      %get3A_168 = arith.constant 0 : index
      %get3A_169 = vector.load %arg7[%get3A_167, %get3A_168] : memref<128x1xi32, #tpu.memory_space<vmem>>, vector<128x1xi32>
      %get3A_170 = arith.constant 0 : index
      %get3A_171 = arith.constant 0 : index
      %get3A_172 = vector.load %arg9[%get3A_170, %get3A_171] : memref<128x1xi32, #tpu.memory_space<vmem>>, vector<128x1xi32>
      %get3A_173 = arith.constant 0 : index
      %get3A_174 = arith.constant 0 : index
      %get3A_175 = vector.load %arg11[%get3A_173, %get3A_174] : memref<128x1xi32, #tpu.memory_space<vmem>>, vector<128x1xi32>
      %eq3A_176 = arith.cmpi eq, %get3A_172, %get3A_169 : vector<128x1xi32>
      %select_n3A_177 = arith.select %eq3A_176, %get3A_172, %get3A_175 : vector<128x1xi1>, vector<128x1xi32>
      %swap3A = arith.constant 0 : index
      %swap3A_178 = arith.constant 0 : index
      %swap3A_179 = vector.load %arg5[%swap3A, %swap3A_178] : memref<128x1xi32, #tpu.memory_space<vmem>>, vector<128x1xi32>
      tpu.vector_store %arg5[%swap3A, %swap3A_178], %select_n3A_177 {strides = array<i32>} : memref<128x1xi32, #tpu.memory_space<vmem>>, vector<128x1xi32>,
    } else {
    }
    return
  }
  func.func @transform_0(%arg0: i32) -> (i32, i32, i32) {
    %c0_i32 = arith.constant 0 : i32
    %c0_i32_0 = arith.constant 0 : i32
    %c0_i32_1 = arith.constant 0 : i32
    return %c0_i32, %arg0, %c0_i32_0 : i32, i32, i32
  }
  func.func @transform_1(%arg0: i32) -> (i32, i32, i32) {
    %c0_i32 = arith.constant 0 : i32
    %c0_i32_0 = arith.constant 0 : i32
    %c0_i32_1 = arith.constant 0 : i32
    return %c0_i32, %arg0, %c0_i32_0 : i32, i32, i32
  }
  func.func @transform_2(%arg0: i32) -> (i32, i32) {
    %c0_i32 = arith.constant 0 : i32
    %c0_i32_0 = arith.constant 0 : i32
    %c0_i32_1 = arith.constant 0 : i32
    return %c0_i32, %c0_i32_0 : i32, i32
  }
  func.func @transform_3(%arg0: i32) -> (i32, i32) {
    %c0_i32 = arith.constant 0 : i32
    %c0_i32_0 = arith.constant 0 : i32
    %c0_i32_1 = arith.constant 0 : i32
    return %c0_i32, %c0_i32_0 : i32, i32
  }
  func.func @transform_4(%arg0: i32) -> (i32, i32) {
    %c0_i32 = arith.constant 0 : i32
    %c0_i32_0 = arith.constant 0 : i32
    %c0_i32_1 = arith.constant 0 : i32
    return %c0_i32, %c0_i32_0 : i32, i32
  }
}

</mosaic_0001>

<sc_bundles>
// kernel: sparse-core-data-format-call.cloned.1.call-start
scs
called_computation_lowered:
.L_overlay_start_0:
0x0: {  	s2 =	sld [smem:$0x3FD9]  }
0x1: {  	s3 =	sld [smem:$0x3FFE];
	_ =	sdelay $0x1  }
0x2: {  	s1 =	srdreg.scid  }
0x3: {  	s0 =	sand.u32 $0x1, s1  }
0x4: {  	s18 =	sshll.u32 s0, $0xA;
	s2 =	sadd.s32 s3, s2  }
0x5: {  	s2 =	sadd.s32 s2, s18  }
0x6: {  	[smem:$0x3FC5] =	sst s2  }
0x7: {  	_ = 	snop  }
0x8: {  	s2 =	sld [smem:$0x3FC9];
	(tm) =	ssettm $0x1  }
0x9: {  	s19 =	sld [smem:$0x3FFB];
	_ =	sdelay $0x3  }
0xa: {  	_ =	strace s19  }
0xb: {  	s3 =	sld [smem:$0x3FFC];
	_ =	sdelay $0x3  }
0xc: {  	_ =	strace s3  }
0xd: {  	s3 =	sld [smem:$0x3FFD];
	_ =	sdelay $0x3  }
0xe: {  	_ =	strace s3  }
0xf: {  	_ =	strace $0x8FFFFFFF  }
0x10: {  	s20 =	sld [smem:$0x3FDB];
	_ =	sdelay $0x1  }
0x11: {  	s4 =	simm.s32 $_scs_section_size  }
0x12: {  	s5 =	simm.s32 $_size__tile_overlayer_lowered;
	s6 =	simm.s32 $_tile_overlayer_lowered  }
0x13: {  	s23 =	simm.s32 $0x1BFF;
	s22 =	sshll.u32 s6, $0x1;
	s3 =	sadd.s32 s4, s20  }
0x14: {  	s7 =	simm.s32 $0x0;
	s21 =	sshll.u32 s5, $0x1;
	s5 =	sadd.s32 s22, s3  }
0x15: {  	[timem:s7], [sflag:s23] =	dma.local [hbm:s5], s21  }
0x16: {  	_ =	swait.ge [sflag:s23], s21  }
0x17: {  	s4 =	ssub.s32 $0x0, s21;
	[sflag:s23] =	ssyncset.done $0x0  }
0x18: {  	[sflag:s23] =	ssyncadd.s32 s4;
	_ =	sdelay $0x1  }
0x19: {  	s24 =	simm.s32 $0x1B8B  }
0x1a: {  	_ =	swait.ge [sflag:s24], $0x1  }
0x1b: {  	[sflag:s24] =	ssyncset.done $0x0  }
0x1c: {  	s26 =	simm.s32 $0x1B8E;
	s25 =	sld [smem:$0x3FFE];
	[sflag:s24] =	ssyncadd.s32 $0xFFFFFFFF  }
0x1d: {  	s27 =	simm.s32 $execute0_lowered;
	[smem:$0x3FD2] =	sst s26  }
0x1e: {  	s5 =	sshll.u32 s27, $0x1;
	_ =	strace $0x80000046;
	[dreg:$0x1] =	wrdreg $0xFFFFFFFF  }
0x1f: {  	s28 =	simm.s32 $_size_execute0_lowered;
	s3 =	sadd.s32 s3, s5;
	[dreg:$0x0] =	wrdreg $0x0  }
0x20: {  	s5 =	sshll.u32 s28, $0x1;
	[dreg:$0x2] =	wrdreg s3  }
0x21: {  	[dreg:$0x3] =	wrdreg s5  }
0x22: {  	[dreg:$0x4] =	wrdreg $0xC0  }
0x23: {  	_ =	task [dreg:s7], $0x5FFFF  }
0x24: {  	[dreg:$0x1] =	wrdreg $0xFFFFFFFF  }
0x25: {  	[dreg:$0x0] =	wrdreg $0x60  }
0x26: {  	[dreg:$0x2] =	wrdreg s2  }
0x27: {  	[dreg:$0x3] =	wrdreg s25  }
0x28: {  	[dreg:$0x4] =	wrdreg $0x9  }
0x29: {  	_ =	task.clear_ibuf [dreg:s7], $0x5FFFF;
	_ =	strace $0x90000046  }
0x2a: {  	s29 =	simm.s32 $0x9;
	_ =	strace $0x80000048  }
0x2b: {  	_ =	swait.ge [sflag:s29], $0x1  }
0x2c: {  	[sflag:s29] =	ssyncadd.s32 $0xFFFFFFFF  }
0x2d: {  	_ =	strace $0x90000048  }
0x2e: {  	_ =	sfence  }
0x2f: {  	s30 =	sld [smem:$0x0];
	_ =	sdelay $0x2  }
0x30: {  	s31 =	sshll.u32 s1, $0xD;
	s1 =	sshrl.u32 s1, $0x2  }
0x31: {  	s3 =	sand.u32 $0x4000, s31;
	s1 =	sadd.s32 s1, s30  }
0x32: {  	s0 =	sor.u32 s3, s0;
	s1 =	sshll.u32 s1, $0x11  }
0x33: {  	s0 =	sor.u32 s1, s0  }
0x34: {  	s0 =	sadd.s32 $0x8F2B, s0  }
0x35: {  	[sflag:s0] =	ssyncadd.remote.s32 $0x1  }
0x36: {  	_ =	sfence.sel $0xFFFF  }
0x37: {  	[dreg:$0x0] =	wrdreg $0xFFFFFFFF;
	(pc) =	sbr.abs _section_cstart, $3  }
0x38: {  	[dreg:$0x1] =	wrdreg $0xFFFFFFFF  }
0x39: {  	_ =	task.clear_ibuf [dreg:s7], $0x2FFFF;
	_ =	strace $0x9FFFFFFF  }
0x3a: {  	(tm) =	ssettm $0x7FFFFFFF  }
0x3b: {  	_ =	shalt  }
tec
execute0_lowered:
.L_overlay_start_1:
0x0: {  	(tag) =	ssettag $0x1  }
0x1: {  	s0 =	srdreg.scid;
	s2 =	rddreg [dreg:$0x0]  }
0x2: {  	s4 =	rddreg [dreg:$0x1];
	s7 =	simm.s32 $0x2;
	s17 =	simm.s32 $0x0  }
0x3: {  	s8 =	simm.s32 $0xC00;
	s9 =	simm.s32 $0x0;
	s0 =	sshll.u32 s0, $0x7  }
0x4: {  	s15 =	simm.s32 $0x0;
	s18 =	simm.s32 $0x0;
	s1 =	sand.u32 $0x80, s0  }
0x5: {  	s16 =	simm.s32 $0x0;
	s10 =	simm.s32 $0x0;
	s3 =	ssub.s32 $0x100, s1  }
0x6: {  	s11 =	simm.s32 $0x0;
	s13 =	stileid.u32;
	s5 =	sshrl.u32 s3, $0x7  }
.Ltmp0:
0x7: {  	s3 =	sshrl.u32 s3, $0x8;
	s5 =	sand.u32 $0x1, s5;
	(pc) =	sbr.rel .LBB1_1-.Ltmp0, $4  }
0x8: {  	s14 =	simm.s32 $0x0;
	s0 =	rddreg [dreg:$0x2];
	s3 =	sadd.s32 s3, s5  }
0x9: {  	_ =	strace $0x80000047;
	s5 =	simm.s32 $0x1;
	s6 =	smul.u32 $0x18, s3  }
0xa: {  	s4 =	sadd.s32 $0x200, s4;
	s12 =	smov.u32 s1;
	[sflag:s5] =	ssyncpa.u1 $0x0  }
0xb: {  	s3 =	stileid.u32;
	[sflag:s7] =	ssyncpa.u1 $0x0;
	s7 =	sor.u32 $0x1, s6  }
.LBB1_4:
0xc: {  	_ =	sdelay $0x2  }
0xd: {  	s22 =	sshrl.u32 s18, $0x3  }
0xe: {  	s23 =	sshll.u32 s17, $0x3;
	[tilespmem:v0+s21+$0xFFFFFFD0 ss:$0x1] =	vst.idx.msk $0xffff, v7;
	s22 =	smul.u32 $0xC00, s22  }
0xf: {  	s27 =	sshll.u32 s18, $0x7;
	v56 =	vld.idx.msk [tilespmem:v1+s20+$0x0 ss:$0x1], $0xffff;
	[tilespmem:v0+s21+$0xFFFFFFE0 ss:$0x1] =	vst.idx.msk $0xffff, v5;
	s23 =	sand.u32 $0xFFFFFC00, s23  }
0x10: {  	v57 =	vld.idx.msk [tilespmem:v1+s20+$0xFFFFFF90 ss:$0x1], $0xffff;
	[tilespmem:v0+s21+$0xFFFFFFF0 ss:$0x1] =	vst.idx.msk $0xffff, v4;
	s18 =	sand.u32 $0x380, s27;
	s22 =	sadd.s32 s22, s23  }
0x11: {  	s28 =	sand.u32 $0x7F, s17;
	v58 =	vld.idx.msk [tilespmem:v1+s20+$0xFFFFFFA0 ss:$0x1], $0xffff;
	[tilespmem:v0+s21+$0x0 ss:$0x1] =	vst.idx.msk $0xffff, v2;
	s18 =	sor.u32 s18, s22  }
0x12: {  	v59 =	vld.idx.msk [tilespmem:v1+s20+$0xFFFFFFB0 ss:$0x1], $0xffff;
	[tilespmem:v0+s21+$0x10 ss:$0x1] =	vst.idx.msk $0xffff, v3;
	s17 =	sor.u32 s28, s18  }
0x13: {  	[tilespmem:v0+s21+$0x20 ss:$0x1] =	vst.idx.msk $0xffff, v6;
	v60 =	vld.idx.msk [tilespmem:v1+s20+$0xFFFFFFC0 ss:$0x1], $0xffff;
	s29 =	smulhi.u32 $0xAAAAAAAB, s17  }
0x14: {  	v61 =	vld.idx.msk [tilespmem:v1+s20+$0xFFFFFFD0 ss:$0x1], $0xffff;
	[tilespmem:v0+s20+$0x30 ss:$0x1] =	vst.idx.msk $0xffff, v56;
	s18 =	smulhi.u32 $0xAAAAAAAB, s18  }
0x15: {  	v62 =	vld.idx.msk [tilespmem:v1+s20+$0xFFFFFFE0 ss:$0x1], $0xffff;
	s16 =	smul.u32 $0x18000, s16;
	[tilespmem:v0+s20+$0xFFFFFFC0 ss:$0x1] =	vst.idx.msk $0xffff, v57;
	s30 =	sshrl.u32 s29, $0x8  }
0x16: {  	v63 =	vld.idx.msk [tilespmem:v1+s20+$0xFFFFFFF0 ss:$0x1], $0xffff;
	[tilespmem:v0+s20+$0xFFFFFFD0 ss:$0x1] =	vst.idx.msk $0xffff, v58;
	s18 =	sshrl.u32 s18, $0x8;
	s21 =	smul.u32 $0x180, s30  }
0x17: {  	s15 =	smul.u32 $0x3000, s15;
	[tilespmem:v0+s20+$0xFFFFFFE0 ss:$0x1] =	vst.idx.msk $0xffff, v59;
	s18 =	sand.u32 $0xFF, s18  }
0x18: {  	s16 =	sadd.s32 s4, s16;
	[tilespmem:v0+s20+$0xFFFFFFF0 ss:$0x1] =	vst.idx.msk $0xffff, v60;
	s18 =	smul.u32 $0x30, s18;
	s17 =	ssub.s32 s17, s21  }
0x19: {  	s15 =	sadd.s32 s15, s16;
	[tilespmem:v0+s20+$0x0 ss:$0x1] =	vst.idx.msk $0xffff, v61;
	s31 =	sand.u32 $0x7, s17  }
0x1a: {  	[tilespmem:v0+s20+$0x10 ss:$0x1] =	vst.idx.msk $0xffff, v62;
	s15 =	sadd.s32 s18, s15;
	s17 =	sshrl.u32 s17, $0x3;
	s16 =	sshll.u32 s31, $0x12  }
0x1b: {  	[tilespmem:v0+s20+$0x20 ss:$0x1] =	vst.idx.msk $0xffff, v63;
	s15 =	sadd.s32 s17, s15;
	s16 =	sor.u32 $0x400, s16  }
0x1c: {  	[hbm4b:s15+s16] =	stream.strided.scatter [tilespmem:s19], [sflag:$0x2], $0x4000, s8, s16, $0x38;
	[tilespmem:$0x10000] =	vst v63  }
.LBB1_5:
0x1d: {  	s19 =	sadd.s32 $0x80, s10  }
0x1e: {  	s15 =	simm.s32 $0x1;
	p1 =	sgt.s32 s19, $0x17F  }
0x1f: {  	s15 =	simm.s32 @!p1 $0x0  }
0x20: {  	s20 =	sadd.s32 s15, s11  }
0x21: {  	s21 =	smov.u32 s12;
	s15 =	sadd.s32 $0x100, s12;
	p2 =	sgt.s32 s20, $0x7  }
0x22: {  	s21 =	smov.u32 @p2 s15  }
0x23: {  	s22 =	smov.u32 s13;
	s15 =	sadd.s32 $0x10, s13;
	p3 =	sgt.s32 s21, $0xFF  }
0x24: {  	p0 =	slt.u32 s14, $0x2;
	s22 =	smov.u32 @p3 s15  }
0x25: {  	s17 =	smov.u32 s10;
	s19 =	simm.s32 @p1 $0x0;
	p1 =	sgt.s32 s22, $0xF  }
0x26: {  	s23 =	simm.s32 @!p0 $0x2;
	s22 =	smov.u32 @p1 s3;
	p1 =	sne.s32 s14, s7  }
.Ltmp1:
0x27: {  	s18 =	smov.u32 s12;
	_ =	swait.ge @!p0 [sflag:s23], $0x4000;
	(pc) =	sbr.rel @!p1 .LBB1_6-.Ltmp1, $4  }
0x28: {  	s16 =	smov.u32 s13;
	s9 =	sadd.s32 $0x4000, s9;
	[sflag:s23] =	ssyncset.done @!p0 $0x0  }
0x29: {  	s10 =	smov.u32 s19;
	[sflag:s23] =	ssyncadd.s32 @!p0 $0xFFFFC000;
	s20 =	simm.s32 @p2 $0x0  }
0x2a: {  	s21 =	smov.u32 @p3 s1;
	s15 =	smov.u32 s11;
	s11 =	smov.u32 s20  }
0x2b: {  	s12 =	smov.u32 s21;
	s14 =	sadd.s32 $0x1, s14;
	s13 =	smov.u32 s22  }
.LBB1_1:
0x2c: {  	p0 =	sge.u32 s14, s6  }
0x2d: {  	s19 =	sshrl.u32 @!p0 s11, $0x3  }
0x2e: {  	s20 =	sshll.u32 @!p0 s10, $0x3;
	s19 =	smul.u32 @!p0 $0xC00, s19  }
0x2f: {  	s21 =	sshll.u32 @!p0 s11, $0x7;
	s20 =	sand.u32 @!p0 $0xFFFFFC00, s20  }
0x30: {  	s19 =	sadd.s32 @!p0 s19, s20;
	s20 =	sand.u32 @!p0 $0x380, s21  }
0x31: {  	s21 =	sand.u32 @!p0 $0x7F, s10;
	s19 =	sor.u32 @!p0 s20, s19  }
0x32: {  	s20 =	sor.u32 @!p0 s21, s19  }
0x33: {  	s21 =	smulhi.u32 @!p0 $0xAAAAAAAB, s20  }
0x34: {  	s19 =	smulhi.u32 @!p0 $0xAAAAAAAB, s19  }
0x35: {  	s31 =	sadd.s32 $0xFFFFFFFF, s14;
	s23 =	smul.u32 @!p0 $0x18000, s13;
	s21 =	sshrl.u32 @!p0 s21, $0x8  }
0x36: {  	s22 =	sxor.u32 @!p0 $0xFFFFFFFF, s14;
	s19 =	sshrl.u32 @!p0 s19, $0x8;
	s21 =	smul.u32 @!p0 $0x180, s21  }
0x37: {  	s24 =	smul.u32 @!p0 $0x180, s12;
	s22 =	sshll.u32 @!p0 s22, $0xE;
	s19 =	sand.u32 @!p0 $0x7, s19  }
0x38: {  	s19 =	smul.u32 @!p0 $0x30, s19;
	s20 =	ssub.s32 @!p0 s20, s21;
	s21 =	sadd.s32 @!p0 s2, s23  }
0x39: {  	s22 =	sand.u32 @!p0 $0x4000, s22;
	s21 =	sadd.s32 @!p0 s24, s21;
	s23 =	sand.u32 @!p0 $0x7, s20  }
0x3a: {  	s20 =	sshrl.u32 @!p0 s20, $0x3;
	s19 =	sadd.s32 @!p0 s19, s21;
	s21 =	sshll.u32 @!p0 s23, $0x12  }
0x3b: {  	s19 =	sadd.s32 @!p0 s20, s19;
	s20 =	sor.u32 @!p0 $0x80, s21;
	s21 =	simm.s32 @!p0 $0xC00  }
0x3c: {  	[tilespmem:s22], [sflag:$0x1] =	stream.strided.gather @!p0 [hbm4b:s19+s20], $0x4000, s21, s20, $0x38;
	[tilespmem:$0x10000] =	vst v63  }
0x3d: {  	p0 =	sge.u32 s31, s6  }
.Ltmp2:
0x3e: {  	_ = 	snop;
	(pc) =	sbr.rel @p0 .LBB1_5-.Ltmp2, $1  }
0x3f: {  	_ =	sdelay $0x3  }
0x40: {  	s19 =	sand.u32 $0x4000, s9  }
0x41: {  	s20 =	sor.u32 $0x70, s19  }
0x42: {  	v1 =	vmov s20;
	_ =	sdelay $0x1  }
0x43: {  	_ =	swait.ge [sflag:s5], $0x4000  }
0x44: {  	[sflag:s5] =	ssyncset.done $0x0  }
0x45: {  	s21 =	simm.s32 $0x0;
	[sflag:s5] =	ssyncadd.s32 $0xFFFFC000  }
0x46: {  	s19 =	sor.u32 $0x8040, s19;
	v6 =	vld.idx.msk [tilespmem:v1+s21+$0x0 ss:$0x1], $0xffff  }
0x47: {  	v0 =	vmov s19;
	v8 =	vld.idx.msk [tilespmem:v1+s21+$0xFFFFFF90 ss:$0x1], $0xffff  }
0x48: {  	v7 =	vld.idx.msk [tilespmem:v1+s21+$0xFFFFFFA0 ss:$0x1], $0xffff  }
0x49: {  	v5 =	vld.idx.msk [tilespmem:v1+s21+$0xFFFFFFB0 ss:$0x1], $0xffff  }
0x4a: {  	v4 =	vld.idx.msk [tilespmem:v1+s21+$0xFFFFFFC0 ss:$0x1], $0xffff  }
0x4b: {  	s31 =	sshll.u32 s14, $0xE;
	v2 =	vld.idx.msk [tilespmem:v1+s21+$0xFFFFFFD0 ss:$0x1], $0xffff  }
0x4c: {  	s19 =	sand.u32 $0x4000, s31;
	v3 =	vld.idx.msk [tilespmem:v1+s21+$0xFFFFFFE0 ss:$0x1], $0xffff;
	[tilespmem:v0+s21+$0x30 ss:$0x1] =	vst.idx.msk $0xffff, v6  }
0x4d: {  	s22 =	simm.s32 $0x400;
	s20 =	simm.s32 $0x80;
	s19 =	sor.u32 $0x8000, s19;
	[tilespmem:v0+s21+$0xFFFFFFC0 ss:$0x1] =	vst.idx.msk $0xffff, v8;
	v6 =	vld.idx.msk [tilespmem:v1+s21+$0xFFFFFFF0 ss:$0x1], $0xffff  }
.LBB1_3:
0x4e: {  	p0 =	sne.s32 s22, $0xFE00;
	v8 =	vld.idx.msk [tilespmem:v1+s20+$0x0 ss:$0x1], $0xffff;
	[tilespmem:v0+s21+$0xFFFFFFD0 ss:$0x1] =	vst.idx.msk $0xffff, v7  }
0x4f: {  	v9 =	vld.idx.msk [tilespmem:v1+s20+$0xFFFFFF90 ss:$0x1], $0xffff;
	[tilespmem:v0+s21+$0xFFFFFFE0 ss:$0x1] =	vst.idx.msk $0xffff, v5  }
0x50: {  	v7 =	vld.idx.msk [tilespmem:v1+s20+$0xFFFFFFA0 ss:$0x1], $0xffff;
	[tilespmem:v0+s21+$0xFFFFFFF0 ss:$0x1] =	vst.idx.msk $0xffff, v4  }
.Ltmp3:
0x51: {  	v5 =	vld.idx.msk [tilespmem:v1+s20+$0xFFFFFFB0 ss:$0x1], $0xffff;
	[tilespmem:v0+s21+$0x0 ss:$0x1] =	vst.idx.msk $0xffff, v2;
	(pc) =	sbr.rel @p0 .LBB1_3-.Ltmp3, $4  }
0x52: {  	v4 =	vld.idx.msk [tilespmem:v1+s20+$0xFFFFFFC0 ss:$0x1], $0xffff;
	[tilespmem:v0+s21+$0x10 ss:$0x1] =	vst.idx.msk $0xffff, v3  }
0x53: {  	v2 =	vld.idx.msk [tilespmem:v1+s20+$0xFFFFFFD0 ss:$0x1], $0xffff;
	[tilespmem:v0+s21+$0x20 ss:$0x1] =	vst.idx.msk $0xffff, v6;
	s21 =	smov.u32 s20  }
0x54: {  	v3 =	vld.idx.msk [tilespmem:v1+s21+$0xFFFFFFE0 ss:$0x1], $0xffff;
	[tilespmem:v0+s21+$0x30 ss:$0x1] =	vst.idx.msk $0xffff, v8  }
0x55: {  	s20 =	sshra.s32 s22, $0x2;
	s22 =	sadd.s32 $0x200, s22;
	[tilespmem:v0+s21+$0xFFFFFFC0 ss:$0x1] =	vst.idx.msk $0xffff, v9;
	v6 =	vld.idx.msk [tilespmem:v1+s21+$0xFFFFFFF0 ss:$0x1], $0xffff  }
.Ltmp4:
0x56: {  	_ = 	snop;
	(pc) =	sbr.rel .LBB1_4-.Ltmp4, $1  }
0x57: {  	_ =	sdelay $0x3  }
.LBB1_6:
0x58: {  	_ =	sfence.sel $0x180000  }
0x59: {  	s1 =	simm.s32 $0x1;
	[bflag:$0x0] =	sbarrier.arrive $0xFFFF  }
0x5a: {  	s31 =	simm.s32 $0x2;
	[sflag:s1] =	ssyncpa.u1 $0x1  }
0x5b: {  	[sflag:s31] =	ssyncpa.u1 $0x1  }
0x5c: {  	p0 =	sne.s32 s3, $0x0;
	_ =	strace $0x90000047  }
0x5d: {  	s0 =	sadd.s32 @!p0 $0x100000, s0;
	[bflag:$0x2] =	sbarrier.arrive $0xFFFF  }
0x5e: {  	[sflag:s0] =	ssyncadd.tile.s32 @!p0 $0x1;
	_ =	shalt  }
.Lfunc_end1:
_tile_overlayer_lowered:
.L_overlay_start_2:
0x5f: {  	(tag) =	ssettag $0x2  }
0x60: {  	s0 =	rddreg [dreg:$0x0];
	s2 =	stileid.u32  }
0x61: {  	s1 =	rddreg [dreg:$0x1];
	p0 =	sne.s32 s2, $0x0  }
0x62: {  	s3 =	rddreg [dreg:$0x2];
	[bflag:$0x3] =	sbarrier.arrive $0xFFFF;
	s2 =	simm.s32 @!p0 $0x1C01  }
0x63: {  	[timem:s3], [sflag:s2] =	dma.local @!p0 [hbm:s0], s1  }
0x64: {  	s0 =	simm.s32 @!p0 $0x1  }
0x65: {  	_ =	swait.ge @!p0 [sflag:s0], s1  }
0x66: {  	s1 =	ssub.s32 @!p0 $0x0, s1;
	[sflag:s0] =	ssyncset.done @!p0 $0x0  }
0x67: {  	[sflag:s0] =	ssyncadd.s32 @!p0 s1  }
0x68: {  	[bflag:$0x3] =	sbarrier.arrive $0xFFFF  }
0x69: {  	_ =	shalt  }

</sc_bundles>
